<compile_context>
chip_gen: v7x
topology: tpu7x:2x2x1
jax: 0.10.2.dev20260603
libtpu: 0.0.44.dev20260713+nightly
codegen_flags: <defaults>
</compile_context>

<pallas_src>
import functools

import jax
import jax.numpy as jnp
from jax import lax
from jax.experimental import pallas as pl
from jax.experimental.pallas import tpu as pltpu
from jax.experimental.pallas import tpu_sc as plsc

_NC = 2
_NS = 16
_NW = _NC * _NS
_L = 16


def _focal_partials(n_rows, x0_hbm, x1_hbm, tgt_hbm, alpha_hbm, out_hbm,
                    x0buf, x1buf, tbuf, avec):
    rpw = n_rows // _NW
    wid = lax.axis_index("s") * _NC + lax.axis_index("c")
    row0 = wid * rpw

    pltpu.sync_copy(x0_hbm.at[pl.ds(row0, rpw)], x0buf)
    pltpu.sync_copy(x1_hbm.at[pl.ds(row0, rpw)], x1buf)
    pltpu.sync_copy(tgt_hbm.at[pl.ds(row0, rpw)], tbuf)
    pltpu.sync_copy(alpha_hbm, avec)

    zero = jnp.zeros((_L,), jnp.float32)

    def group(i, acc):
        base = i * _L
        t = tbuf[pl.ds(base, _L)]
        x0 = x0buf[pl.ds(base, _L)]
        x1 = x1buf[pl.ds(base, _L)]
        dx = x1 - x0
        d = jnp.where(t == 1, dx, -dx)
        e = jnp.exp(-jnp.abs(d))
        r = 1.0 / (1.0 + e)
        omp = jnp.where(d >= 0.0, e, 1.0) * r
        z = e / (2.0 + e)
        z2 = z * z
        l1p = z * (2.0 + z2 * (2.0 / 3.0 + z2 * (2.0 / 5.0 + z2 *
                   (2.0 / 7.0 + z2 * (2.0 / 9.0)))))
        nlp = jnp.maximum(-d, 0.0) + l1p
        return acc + omp * omp * nlp

    acc = lax.fori_loop(0, rpw // _L, group, zero)

    scale = jnp.sum(avec[...]) * (0.5 / n_rows)
    avec[...] = acc * scale
    pltpu.sync_copy(avec, out_hbm.at[pl.ds(wid * _L, _L)])


def kernel(inputs, targets, alpha):
    n = inputs.shape[0]
    alpha16 = jnp.pad(alpha.astype(jnp.float32),
                      (0, _L - alpha.shape[0]))
    partials = pl.kernel(
        functools.partial(_focal_partials, n),
        out_type=jax.ShapeDtypeStruct((_NW * _L,), jnp.float32),
        mesh=plsc.VectorSubcoreMesh(core_axis_name="c", subcore_axis_name="s"),
        compiler_params=pltpu.CompilerParams(needs_layout_passes=False),
        scratch_types=[
            pltpu.VMEM((n // _NW,), jnp.float32),
            pltpu.VMEM((n // _NW,), jnp.float32),
            pltpu.VMEM((n // _NW,), jnp.int32),
            pltpu.VMEM((_L,), jnp.float32),
        ],
    )(inputs[:, 0], inputs[:, 1], targets.astype(jnp.int32), alpha16)
    return jnp.sum(partials)

# --- scband reference (transcript-rebuilt; emitter-appended) ---
"""Pipeline reference for scband-focal-loss-2-64166811402737 (READ-ONLY COPY).

The authoritative reference and input builder live on the scoring server;
editing this copy changes nothing except your own understanding.
"""

import jax, jax.numpy as jnp
import numpy as np

N = 1048576
C = 2
GAMMA = 2
ALPHA0 = 0.25

def setup_inputs(seed: int = 0) -> dict:
    key = jax.random.key(seed)
    k1, k2 = jax.random.split(key)
    inputs = jax.random.normal(k1, (N, C), dtype=jnp.float32)
    targets = jax.random.randint(k2, (N,), 0, C, dtype=jnp.int64 if jax.config.read('jax_enable_x64') else jnp.int32)
    # alpha buffer per __init__: alpha[0] = 0.25, alpha[1:] = 1 - 0.25
    alpha = jnp.zeros((C,), dtype=jnp.float32)
    alpha = alpha.at[0].add(ALPHA0)
    alpha = alpha.at[1:].add(1.0 - ALPHA0)
    return {"inputs": inputs, "targets": targets, "alpha": alpha}

def reference(inputs, targets, alpha):
    n = inputs.shape[0]
    c = inputs.shape[1]
    P = jax.nn.softmax(inputs, axis=1)
    # class_mask via scatter of ones at target column (one-hot)
    ids = targets.reshape(-1, 1)
    class_mask = jnp.zeros((n, c), dtype=inputs.dtype).at[jnp.arange(n)[:, None], ids].set(1.0)
    probs = (P * class_mask).sum(axis=1).reshape(-1, 1)  # [N, 1]
    log_p = jnp.log(probs)
    # faithful to original: alpha [C] broadcasts against probs [N,1] -> [N,C]
    batch_loss = -alpha * jnp.power(1.0 - probs, GAMMA) * log_p
    loss = batch_loss.mean()  # size_average=True
    return loss

if __name__ == "__main__":
    import jax
    _d = setup_inputs()
    print(jax.jit(kernel)(*tuple(_d.values())))

</pallas_src>

<mosaic_0001>
#map = affine_map<(d0, d1) -> (0)>
module attributes {stable_mosaic.version = 14 : i64} {
  func.func @_focal_partials(%arg0: i32, %arg1: i32, %arg2: memref<1048576xf32, #tpu.memory_space<hbm>>, %arg3: memref<1048576xf32, #tpu.memory_space<hbm>>, %arg4: memref<1048576xi32, #tpu.memory_space<hbm>>, %arg5: memref<16xf32, #tpu.memory_space<hbm>>, %arg6: memref<512xf32, #tpu.memory_space<hbm>>, %arg7: memref<32768xf32, #tpu.memory_space<vmem>>, %arg8: memref<32768xf32, #tpu.memory_space<vmem>>, %arg9: memref<32768xi32, #tpu.memory_space<vmem>>, %arg10: memref<16xf32, #tpu.memory_space<vmem>>) attributes {dimension_semantics = [#tpu.dimension_semantics<core_parallel>, #tpu.dimension_semantics<subcore_parallel>], iteration_bounds = array<i64: 2, 16>, scalar_prefetch = 0 : i64, scratch_operands = 4 : i64, tpu.core_type = #tpu.core_type<sc_vector_subcore>, window_params = [{transform_indices = #map}, {transform_indices = #map}, {transform_indices = #map}, {transform_indices = #map}, {transform_indices = #map}]} {
    %mul3A = arith.constant 2 : i32
    %mul3A_0 = arith.muli %arg1, %mul3A : i32
    %add3A = arith.addi %mul3A_0, %arg0 : i32
    %mul3A_1 = arith.constant 32768 : i32
    %mul3A_2 = arith.muli %add3A, %mul3A_1 : i32
    "tpu.region"() ({
      %run_scoped3A = tpu.sem_alloc : memref<!tpu.dma_semaphore, #tpu.memory_space<semaphore_mem>>
      %dma_start3A = tpu.memref_slice %arg2[%mul3A_2] : memref<1048576xf32, #tpu.memory_space<hbm>> -> memref<32768xf32, #tpu.memory_space<hbm>>
      %dma_start3A_20 = tpu.memref_slice %arg2[%mul3A_2] : memref<1048576xf32, #tpu.memory_space<hbm>> -> memref<32768xf32, #tpu.memory_space<hbm>>
      tpu.enqueue_dma source(%dma_start3A_20 : memref<32768xf32, #tpu.memory_space<hbm>>) target(%arg7 : memref<32768xf32, #tpu.memory_space<vmem>>) target_semaphore(%run_scoped3A : memref<!tpu.dma_semaphore, #tpu.memory_space<semaphore_mem>>)
      %dma_wait3A = tpu.memref_slice %arg2[%mul3A_2] : memref<1048576xf32, #tpu.memory_space<hbm>> -> memref<32768xf32, #tpu.memory_space<hbm>>
      %dma_wait3A_21 = tpu.memref_slice %arg2[%mul3A_2] : memref<1048576xf32, #tpu.memory_space<hbm>> -> memref<32768xf32, #tpu.memory_space<hbm>>
      tpu.wait_dma2 semaphore(%run_scoped3A : memref<!tpu.dma_semaphore, #tpu.memory_space<semaphore_mem>>) src(%dma_wait3A_21 : memref<32768xf32, #tpu.memory_space<hbm>>) dst(%arg7 : memref<32768xf32, #tpu.memory_space<vmem>>)
      tpu.yield
    }) : () -> ()
    "tpu.region"() ({
      %run_scoped3A = tpu.sem_alloc : memref<!tpu.dma_semaphore, #tpu.memory_space<semaphore_mem>>
      %dma_start3A = tpu.memref_slice %arg3[%mul3A_2] : memref<1048576xf32, #tpu.memory_space<hbm>> -> memref<32768xf32, #tpu.memory_space<hbm>>
      %dma_start3A_20 = tpu.memref_slice %arg3[%mul3A_2] : memref<1048576xf32, #tpu.memory_space<hbm>> -> memref<32768xf32, #tpu.memory_space<hbm>>
      tpu.enqueue_dma source(%dma_start3A_20 : memref<32768xf32, #tpu.memory_space<hbm>>) target(%arg8 : memref<32768xf32, #tpu.memory_space<vmem>>) target_semaphore(%run_scoped3A : memref<!tpu.dma_semaphore, #tpu.memory_space<semaphore_mem>>)
      %dma_wait3A = tpu.memref_slice %arg3[%mul3A_2] : memref<1048576xf32, #tpu.memory_space<hbm>> -> memref<32768xf32, #tpu.memory_space<hbm>>
      %dma_wait3A_21 = tpu.memref_slice %arg3[%mul3A_2] : memref<1048576xf32, #tpu.memory_space<hbm>> -> memref<32768xf32, #tpu.memory_space<hbm>>
      tpu.wait_dma2 semaphore(%run_scoped3A : memref<!tpu.dma_semaphore, #tpu.memory_space<semaphore_mem>>) src(%dma_wait3A_21 : memref<32768xf32, #tpu.memory_space<hbm>>) dst(%arg8 : memref<32768xf32, #tpu.memory_space<vmem>>)
      tpu.yield
    }) : () -> ()
    "tpu.region"() ({
      %run_scoped3A = tpu.sem_alloc : memref<!tpu.dma_semaphore, #tpu.memory_space<semaphore_mem>>
      %dma_start3A = tpu.memref_slice %arg4[%mul3A_2] : memref<1048576xi32, #tpu.memory_space<hbm>> -> memref<32768xi32, #tpu.memory_space<hbm>>
      %dma_start3A_20 = tpu.memref_slice %arg4[%mul3A_2] : memref<1048576xi32, #tpu.memory_space<hbm>> -> memref<32768xi32, #tpu.memory_space<hbm>>
      tpu.enqueue_dma source(%dma_start3A_20 : memref<32768xi32, #tpu.memory_space<hbm>>) target(%arg9 : memref<32768xi32, #tpu.memory_space<vmem>>) target_semaphore(%run_scoped3A : memref<!tpu.dma_semaphore, #tpu.memory_space<semaphore_mem>>)
      %dma_wait3A = tpu.memref_slice %arg4[%mul3A_2] : memref<1048576xi32, #tpu.memory_space<hbm>> -> memref<32768xi32, #tpu.memory_space<hbm>>
      %dma_wait3A_21 = tpu.memref_slice %arg4[%mul3A_2] : memref<1048576xi32, #tpu.memory_space<hbm>> -> memref<32768xi32, #tpu.memory_space<hbm>>
      tpu.wait_dma2 semaphore(%run_scoped3A : memref<!tpu.dma_semaphore, #tpu.memory_space<semaphore_mem>>) src(%dma_wait3A_21 : memref<32768xi32, #tpu.memory_space<hbm>>) dst(%arg9 : memref<32768xi32, #tpu.memory_space<vmem>>)
      tpu.yield
    }) : () -> ()
    "tpu.region"() ({
      %run_scoped3A = tpu.sem_alloc : memref<!tpu.dma_semaphore, #tpu.memory_space<semaphore_mem>>
      tpu.enqueue_dma source(%arg5 : memref<16xf32, #tpu.memory_space<hbm>>) target(%arg10 : memref<16xf32, #tpu.memory_space<vmem>>) target_semaphore(%run_scoped3A : memref<!tpu.dma_semaphore, #tpu.memory_space<semaphore_mem>>)
      tpu.wait_dma2 semaphore(%run_scoped3A : memref<!tpu.dma_semaphore, #tpu.memory_space<semaphore_mem>>) src(%arg5 : memref<16xf32, #tpu.memory_space<hbm>>) dst(%arg10 : memref<16xf32, #tpu.memory_space<vmem>>)
      tpu.yield
    }) : () -> ()
    %broadcast_in_dim3A = arith.constant 0.000000e+00 : f32
    %broadcast_in_dim3A_3 = vector.broadcast %broadcast_in_dim3A : f32 to vector<16xf32>
    %scan3A = arith.constant 0 : i32
    %scan3A_4 = arith.constant 2048 : i32
    %scan3A_5 = arith.addi %scan3A, %scan3A_4 : i32
    %scan3A_6 = arith.constant 1 : i32
    %scan3A_7 = scf.for %scan3A_20 = %scan3A to %scan3A_5 step %scan3A_6 iter_args(%scan3A_21 = %broadcast_in_dim3A_3) -> (vector<16xf32>)  : i32 {
      %mul3A_22 = arith.constant 16 : i32
      %mul3A_23 = arith.muli %scan3A_20, %mul3A_22 : i32
      %get3A_24 = arith.index_cast %mul3A_23 : i32 to index
      %get3A_25 = tpu.vector_load %arg9[%get3A_24] {strides = array<i32>} : memref<32768xi32, #tpu.memory_space<vmem>>, vector<16xi32>,
      %get3A_26 = arith.index_cast %mul3A_23 : i32 to index
      %get3A_27 = tpu.vector_load %arg7[%get3A_26] {strides = array<i32>} : memref<32768xf32, #tpu.memory_space<vmem>>, vector<16xf32>,
      %get3A_28 = arith.index_cast %mul3A_23 : i32 to index
      %get3A_29 = tpu.vector_load %arg8[%get3A_28] {strides = array<i32>} : memref<32768xf32, #tpu.memory_space<vmem>>, vector<16xf32>,
      %sub3A = arith.subf %get3A_29, %get3A_27 : vector<16xf32>
      %eq3A = arith.constant 1 : i32
      %eq3A_30 = vector.broadcast %eq3A : i32 to vector<16xi32>
      %eq3A_31 = arith.cmpi eq, %get3A_25, %eq3A_30 : vector<16xi32>
      %neg3A = arith.constant 0.000000e+00 : f32
      %neg3A_32 = vector.broadcast %neg3A : f32 to vector<16xf32>
      %neg3A_33 = arith.subf %neg3A_32, %sub3A : vector<16xf32>
      %select_n3A = arith.select %eq3A_31, %sub3A, %neg3A_33 : vector<16xi1>, vector<16xf32>
      %abs3A = math.absf %select_n3A : vector<16xf32>
      %neg3A_34 = arith.constant 0.000000e+00 : f32
      %neg3A_35 = vector.broadcast %neg3A_34 : f32 to vector<16xf32>
      %neg3A_36 = arith.subf %neg3A_35, %abs3A : vector<16xf32>
      %exp3A = math.exp %neg3A_36 : vector<16xf32>
      %add3A_37 = arith.constant 1.000000e+00 : f32
      %add3A_38 = vector.broadcast %add3A_37 : f32 to vector<16xf32>
      %add3A_39 = arith.addf %add3A_38, %exp3A : vector<16xf32>
      %div3A = arith.constant 1.000000e+00 : f32
      %div3A_40 = vector.broadcast %div3A : f32 to vector<16xf32>
      %div3A_41 = arith.divf %div3A_40, %add3A_39 : vector<16xf32>
      %ge3A = arith.constant 0.000000e+00 : f32
      %ge3A_42 = vector.broadcast %ge3A : f32 to vector<16xf32>
      %ge3A_43 = arith.cmpf oge, %select_n3A, %ge3A_42 : vector<16xf32>
      %jit3A = arith.constant 1.000000e+00 : f32
      %broadcast_in_dim3A_44 = vector.broadcast %jit3A : f32 to vector<16xf32>
      %select_n3A_45 = arith.select %ge3A_43, %exp3A, %broadcast_in_dim3A_44 : vector<16xi1>, vector<16xf32>
      %mul3A_46 = arith.mulf %select_n3A_45, %div3A_41 : vector<16xf32>
      %add3A_47 = arith.constant 2.000000e+00 : f32
      %add3A_48 = vector.broadcast %add3A_47 : f32 to vector<16xf32>
      %add3A_49 = arith.addf %add3A_48, %exp3A : vector<16xf32>
      %div3A_50 = arith.divf %exp3A, %add3A_49 : vector<16xf32>
      %mul3A_51 = arith.mulf %div3A_50, %div3A_50 : vector<16xf32>
      %mul3A_52 = arith.constant 0.222222224 : f32
      %mul3A_53 = vector.broadcast %mul3A_52 : f32 to vector<16xf32>
      %mul3A_54 = arith.mulf %mul3A_51, %mul3A_53 : vector<16xf32>
      %add3A_55 = arith.constant 0.285714298 : f32
      %add3A_56 = vector.broadcast %add3A_55 : f32 to vector<16xf32>
      %add3A_57 = arith.addf %add3A_56, %mul3A_54 : vector<16xf32>
      %mul3A_58 = arith.mulf %mul3A_51, %add3A_57 : vector<16xf32>
      %add3A_59 = arith.constant 4.000000e-01 : f32
      %add3A_60 = vector.broadcast %add3A_59 : f32 to vector<16xf32>
      %add3A_61 = arith.addf %add3A_60, %mul3A_58 : vector<16xf32>
      %mul3A_62 = arith.mulf %mul3A_51, %add3A_61 : vector<16xf32>
      %add3A_63 = arith.constant 0.666666686 : f32
      %add3A_64 = vector.broadcast %add3A_63 : f32 to vector<16xf32>
      %add3A_65 = arith.addf %add3A_64, %mul3A_62 : vector<16xf32>
      %mul3A_66 = arith.mulf %mul3A_51, %add3A_65 : vector<16xf32>
      %add3A_67 = arith.constant 2.000000e+00 : f32
      %add3A_68 = vector.broadcast %add3A_67 : f32 to vector<16xf32>
      %add3A_69 = arith.addf %add3A_68, %mul3A_66 : vector<16xf32>
      %mul3A_70 = arith.mulf %div3A_50, %add3A_69 : vector<16xf32>
      %neg3A_71 = arith.constant 0.000000e+00 : f32
      %neg3A_72 = vector.broadcast %neg3A_71 : f32 to vector<16xf32>
      %neg3A_73 = arith.subf %neg3A_72, %select_n3A : vector<16xf32>
      %max3A = arith.constant 0.000000e+00 : f32
      %max3A_74 = vector.broadcast %max3A : f32 to vector<16xf32>
      %max3A_75 = arith.maximumf %neg3A_73, %max3A_74 : vector<16xf32>
      %add3A_76 = arith.addf %max3A_75, %mul3A_70 : vector<16xf32>
      %mul3A_77 = arith.mulf %mul3A_46, %mul3A_46 : vector<16xf32>
      %mul3A_78 = arith.mulf %mul3A_77, %add3A_76 : vector<16xf32>
      %add3A_79 = arith.addf %scan3A_21, %mul3A_78 : vector<16xf32>
      scf.yield %add3A_79 : vector<16xf32>
    }
    %scan3A_8 = arith.constant 2048 : i32
    %get3A = arith.constant 0 : index
    %get3A_9 = tpu.vector_load %arg10[%get3A] {strides = array<i32>} : memref<16xf32, #tpu.memory_space<vmem>>, vector<16xf32>,
    %reduce_sum3A = arith.constant true
    %reduce_sum3A_10 = vector.broadcast %reduce_sum3A : i1 to vector<16xi1>
    %reduce_sum3A_11 = tpu.scan <sum>, %get3A_9 masked %reduce_sum3A_10 : vector<16xf32>, vector<16xi1> -> vector<16xf32>
    %reduce_sum3A_12 = vector.extract %reduce_sum3A_11[15] : f32 from vector<16xf32>
    %mul3A_13 = arith.constant 4.76837158E-7 : f32
    %mul3A_14 = arith.mulf %reduce_sum3A_12, %mul3A_13 : f32
    %mul3A_15 = vector.broadcast %mul3A_14 : f32 to vector<16xf32>
    %mul3A_16 = arith.mulf %scan3A_7, %mul3A_15 : vector<16xf32>
    %swap3A = arith.constant 0 : index
    %swap3A_17 = tpu.vector_load %arg10[%swap3A] {strides = array<i32>} : memref<16xf32, #tpu.memory_space<vmem>>, vector<16xf32>,
    tpu.vector_store %arg10[%swap3A], %mul3A_16 {strides = array<i32>} : memref<16xf32, #tpu.memory_space<vmem>>, vector<16xf32>,
    %mul3A_18 = arith.constant 16 : i32
    %mul3A_19 = arith.muli %add3A, %mul3A_18 : i32
    "tpu.region"() ({
      %run_scoped3A = tpu.sem_alloc : memref<!tpu.dma_semaphore, #tpu.memory_space<semaphore_mem>>
      %dma_start3A = tpu.memref_slice %arg6[%mul3A_19] : memref<512xf32, #tpu.memory_space<hbm>> -> memref<16xf32, #tpu.memory_space<hbm>>
      %dma_start3A_20 = tpu.memref_slice %arg6[%mul3A_19] : memref<512xf32, #tpu.memory_space<hbm>> -> memref<16xf32, #tpu.memory_space<hbm>>
      tpu.enqueue_dma source(%arg10 : memref<16xf32, #tpu.memory_space<vmem>>) target(%dma_start3A_20 : memref<16xf32, #tpu.memory_space<hbm>>) target_semaphore(%run_scoped3A : memref<!tpu.dma_semaphore, #tpu.memory_space<semaphore_mem>>)
      %dma_wait3A = tpu.memref_slice %arg6[%mul3A_19] : memref<512xf32, #tpu.memory_space<hbm>> -> memref<16xf32, #tpu.memory_space<hbm>>
      %dma_wait3A_21 = tpu.memref_slice %arg6[%mul3A_19] : memref<512xf32, #tpu.memory_space<hbm>> -> memref<16xf32, #tpu.memory_space<hbm>>
      tpu.wait_dma2 semaphore(%run_scoped3A : memref<!tpu.dma_semaphore, #tpu.memory_space<semaphore_mem>>) src(%arg10 : memref<16xf32, #tpu.memory_space<vmem>>) dst(%dma_wait3A_21 : memref<16xf32, #tpu.memory_space<hbm>>)
      tpu.yield
    }) : () -> ()
    return
  }
}

</mosaic_0001>

<sc_bundles>
// kernel: kernel.3.cloned.1.call-start
scs
__scs_entry_jumppad:
0x0: {  	(pc) =	sbr.rel $0x88, $3  }
0x1: {  	(tag) =	ssettag $0x0;
	lr =	simm.s32 $0x1  }
0x2: {  	[smem:$0x3F9E] =	sst lr;
	_ =	strace $0xD0000000  }
0x3: {  	_ = 	snop  }
0x4: {  	_ = 	snop  }
0x5: {  	_ = 	snop  }
0x6: {  	_ = 	snop  }
0x7: {  	_ = 	snop  }
__scs_overlays_trampoline_lowered:
0x8: {  	[smem:$0x3FAD] =	sst s0  }
0x9: {  	[smem:$0x3FAE] =	sst s1  }
0xa: {  	[smem:$0x3FAF] =	sst s2  }
0xb: {  	[smem:$0x3FB0] =	sst s3  }
0xc: {  	[smem:$0x3FB1] =	sst s4  }
0xd: {  	[smem:$0x3FB2] =	sst s5  }
0xe: {  	[smem:$0x3FB3] =	sst s6  }
0xf: {  	[smem:$0x3FB4] =	sst s7  }
0x10: {  	[smem:$0x3FB5] =	sst s8  }
0x11: {  	[smem:$0x3FB6] =	sst s9;
	s0 =	simm.s32 @!p0 $0x0  }
0x12: {  	s1 =	sld [smem:$0x3F9C];
	s0 =	simm.s32 @p0 $0x1  }
0x13: {  	[smem:$0x3FB7] =	sst s0;
	s0 =	simm.s32 @!p1 $0x0  }
0x14: {  	s2 =	sld [smem:$0x3F9B];
	s0 =	simm.s32 @p1 $0x1  }
0x15: {  	[smem:$0x3FB8] =	sst s0;
	s0 =	simm.s32 @!p2 $0x0  }
0x16: {  	s3 =	sld [smem:$0x3FDB];
	s0 =	simm.s32 @p2 $0x1  }
0x17: {  	s4 =	simm.s32 $0x1BF5;
	[smem:$0x3FBA] =	sst s0  }
0x18: {  	s0 =	sld [smem:$0x3F9D];
	_ =	swait.ge [sflag:s4], $0x0  }
0x19: {  	s7 =	sld [smem:$0x3F9E]  }
0x1a: {  	s8 =	sadd.s32 $0xFFFFE003, lr  }
0x1b: {  	s9 =	sadd.s32 $0xFFFFFEF7, lr;
	s5 =	simm.s32 $0xFFFFFFFF;
	p2 =	slt.u32 s8, $0xFFFFF086  }
0x1c: {  	p1 =	slt.u32 s9, $0xF7A;
	s5 =	simm.s32 @!p2 $0x0  }
0x1d: {  	s5 =	simm.s32 @p1 $0x1;
	p0 =	seq.s32 s7, s2  }
0x1e: {  	s7 =	smul.u32 @!p0 $0xF7A, s2;
	p2 =	seq.s32 @!p0 s5, $0x0  }
0x1f: {  	s9 =	smul.u32 $0xF7A, s1;
	s8 =	simm.s32 @!p0 $0x1BF5;
	p2 =	por !p2, p0  }
0x20: {  	[sflag:s8] =	ssyncset.s32 @!p0 $0xFFFFF086;
	s6 =	sadd.s32 @!p0 s3, s7;
	s7 =	simm.s32 @!p0 $0x108  }
0x21: {  	s3 =	sadd.s32 s3, s9;
	s6 =	sadd.s32 @!p0 $0x88, s6;
	s7 =	simm.s32 @p2 $0x1082  }
0x22: {  	[simem:s7], [sflag:s8] =	dma.local @!p0 [hbm:s6], $0xF7A  }
0x23: {  	s9 =	sor.u32 $0xD0000000, s2;
	s6 =	simm.s32 $0x108;
	_ =	swait.ge @!p0 [sflag:s8], $0x0  }
0x24: {  	s3 =	sadd.s32 $0x88, s3;
	s6 =	simm.s32 @!p1 $0x1082;
	[sflag:s4] =	ssyncset.s32 $0xFFFFF086  }
0x25: {  	[simem:s6], [sflag:s4] =	dma.local [hbm:s3], $0xF7A  }
0x26: {  	[smem:$0x3F9E] =	sst s1;
	(tag) =	ssettag s2;
	_ =	strace s9  }
0x27: {  	s1 =	sld [smem:$0x3FAE]  }
0x28: {  	s2 =	sld [smem:$0x3FAF]  }
0x29: {  	s4 =	sld [smem:$0x3FB1]  }
0x2a: {  	p0 =	seq.s32 s5, $0x0;
	s5 =	sld [smem:$0x3FB2]  }
0x2b: {  	s6 =	sld [smem:$0x3FB3]  }
0x2c: {  	s7 =	sld [smem:$0x3FB4]  }
0x2d: {  	s3 =	simm.s32 $0x108;
	s8 =	sld [smem:$0x3FB5]  }
0x2e: {  	s3 =	simm.s32 @!p0 $0x1082;
	s9 =	sld [smem:$0x3FB6]  }
0x2f: {  	lr =	sadd.s32 s0, s3;
	s0 =	sld [smem:$0x3FAD]  }
0x30: {  	s3 =	sld [smem:$0x3FB0]  }
0x31: {  	[smem:$0x3FB9] =	sst s10  }
0x32: {  	s10 =	sld [smem:$0x3FB7];
	_ =	sdelay $0x3  }
0x33: {  	p0 =	seq.s32 s10, $0x1;
	s10 =	sld [smem:$0x3FB9];
	_ =	sdelay $0x3  }
0x34: {  	[smem:$0x3FB9] =	sst s10  }
0x35: {  	s10 =	sld [smem:$0x3FB8];
	_ =	sdelay $0x3  }
0x36: {  	p1 =	seq.s32 s10, $0x1;
	s10 =	sld [smem:$0x3FB9];
	_ =	sdelay $0x3  }
0x37: {  	[smem:$0x3FB9] =	sst s10  }
0x38: {  	s10 =	sld [smem:$0x3FBA]  }
0x39: {  	_ = 	snop;
	(pc) =	sbr.ind lr, $3  }
0x3a: {  	_ = 	snop  }
0x3b: {  	_ = 	snop  }
0x3c: {  	p2 =	seq.s32 s10, $0x1;
	s10 =	sld [smem:$0x3FB9]  }
0x3d: {  	_ =	shalt  }
0x3e: {  	_ =	shalt  }
0x3f: {  	_ =	shalt  }
0x40: {  	_ =	shalt  }
0x41: {  	_ =	shalt  }
0x42: {  	_ =	shalt  }
0x43: {  	_ =	shalt  }
0x44: {  	_ =	shalt  }
0x45: {  	_ =	shalt  }
0x46: {  	_ =	shalt  }
0x47: {  	_ =	shalt  }
0x48: {  	_ =	shalt  }
0x49: {  	_ =	shalt  }
0x4a: {  	_ =	shalt  }
0x4b: {  	_ =	shalt  }
0x4c: {  	_ =	shalt  }
0x4d: {  	_ =	shalt  }
0x4e: {  	_ =	shalt  }
0x4f: {  	_ =	shalt  }
0x50: {  	_ =	shalt  }
0x51: {  	_ =	shalt  }
0x52: {  	_ =	shalt  }
0x53: {  	_ =	shalt  }
0x54: {  	_ =	shalt  }
0x55: {  	_ =	shalt  }
0x56: {  	_ =	shalt  }
0x57: {  	_ =	shalt  }
0x58: {  	_ =	shalt  }
0x59: {  	_ =	shalt  }
0x5a: {  	_ =	shalt  }
0x5b: {  	_ =	shalt  }
0x5c: {  	_ =	shalt  }
0x5d: {  	_ =	shalt  }
0x5e: {  	_ =	shalt  }
0x5f: {  	_ =	shalt  }
0x60: {  	_ =	shalt  }
0x61: {  	_ =	shalt  }
0x62: {  	_ =	shalt  }
0x63: {  	_ =	shalt  }
0x64: {  	_ =	shalt  }
0x65: {  	_ =	shalt  }
0x66: {  	_ =	shalt  }
0x67: {  	_ =	shalt  }
0x68: {  	_ =	shalt  }
0x69: {  	_ =	shalt  }
0x6a: {  	_ =	shalt  }
0x6b: {  	_ =	shalt  }
0x6c: {  	_ =	shalt  }
0x6d: {  	_ =	shalt  }
0x6e: {  	_ =	shalt  }
0x6f: {  	_ =	shalt  }
0x70: {  	_ =	shalt  }
0x71: {  	_ =	shalt  }
0x72: {  	_ =	shalt  }
0x73: {  	_ =	shalt  }
0x74: {  	_ =	shalt  }
0x75: {  	_ =	shalt  }
0x76: {  	_ =	shalt  }
0x77: {  	_ =	shalt  }
0x78: {  	_ =	shalt  }
0x79: {  	_ =	shalt  }
0x7a: {  	_ =	shalt  }
0x7b: {  	_ =	shalt  }
0x7c: {  	_ =	shalt  }
0x7d: {  	_ =	shalt  }
0x7e: {  	_ =	shalt  }
0x7f: {  	_ =	shalt  }
0x80: {  	_ =	shalt  }
0x81: {  	_ =	shalt  }
0x82: {  	_ =	shalt  }
0x83: {  	_ =	shalt  }
0x84: {  	_ =	shalt  }
0x85: {  	_ =	shalt  }
0x86: {  	_ =	shalt  }
0x87: {  	_ =	shalt  }
.Lfunc_end0:
.L_simem_size_0:
called_computation_lowered:
.L_overlay_start_0:
0x88: {  	s2 =	sld [smem:$0x3FD9]  }
0x89: {  	s3 =	sld [smem:$0x3FFE];
	_ =	sdelay $0x1  }
0x8a: {  	s1 =	srdreg.scid  }
0x8b: {  	s0 =	sand.u32 $0x1, s1  }
0x8c: {  	s17 =	sshll.u32 s0, $0xA;
	s2 =	sadd.s32 s3, s2  }
0x8d: {  	s2 =	sadd.s32 s2, s17  }
0x8e: {  	[smem:$0x3FC5] =	sst s2  }
0x8f: {  	_ = 	snop  }
0x90: {  	s2 =	sld [smem:$0x3FC8]  }
0x91: {  	s18 =	sld [smem:$0x3FD0];
	(tm) =	ssettm $0x1  }
0x92: {  	s4 =	sld [smem:$0x3FFB];
	_ =	sdelay $0x3  }
0x93: {  	_ =	strace s4  }
0x94: {  	s4 =	sld [smem:$0x3FFC];
	_ =	sdelay $0x3  }
0x95: {  	_ =	strace s4  }
0x96: {  	s4 =	sld [smem:$0x3FFD];
	_ =	sdelay $0x3  }
0x97: {  	_ =	strace s4  }
0x98: {  	_ =	strace $0x8FFFFFFF  }
0x99: {  	s19 =	sld [smem:$0x3FDB];
	_ =	sdelay $0x1  }
0x9a: {  	s5 =	simm.s32 $_scs_section_size  }
0x9b: {  	s6 =	simm.s32 $_size__tile_overlayer_lowered;
	s7 =	simm.s32 $_tile_overlayer_lowered  }
0x9c: {  	s22 =	simm.s32 $0x1BFF;
	s21 =	sshll.u32 s7, $0x1;
	s4 =	sadd.s32 s5, s19  }
0x9d: {  	s8 =	simm.s32 $0x0;
	s20 =	sshll.u32 s6, $0x1;
	s6 =	sadd.s32 s21, s4  }
0x9e: {  	[timem:s8], [sflag:s22] =	dma.local [hbm:s6], s20  }
0x9f: {  	_ =	swait.ge [sflag:s22], s20  }
0xa0: {  	s5 =	ssub.s32 $0x0, s20;
	[sflag:s22] =	ssyncset.done $0x0  }
0xa1: {  	[sflag:s22] =	ssyncadd.s32 s5;
	_ =	sdelay $0x1  }
0xa2: {  	s23 =	simm.s32 $0x1B8B  }
0xa3: {  	_ =	swait.ge [sflag:s23], $0x1  }
0xa4: {  	[sflag:s23] =	ssyncset.done $0x0  }
0xa5: {  	s25 =	simm.s32 $0x1B8E;
	s24 =	sld [smem:$0x3FFE];
	[sflag:s23] =	ssyncadd.s32 $0xFFFFFFFF  }
0xa6: {  	s26 =	simm.s32 $execute0_lowered;
	[smem:$0x3FD2] =	sst s25  }
0xa7: {  	s6 =	sshll.u32 s26, $0x1;
	_ =	strace $0x80000046;
	[dreg:$0x1] =	wrdreg $0xFFFFFFFF  }
0xa8: {  	s28 =	simm.s32 $_size_execute0_lowered;
	s4 =	sadd.s32 s4, s6;
	[dreg:$0x0] =	wrdreg $0x0  }
0xa9: {  	s6 =	sshll.u32 s28, $0x1;
	[dreg:$0x2] =	wrdreg s4  }
0xaa: {  	[dreg:$0x3] =	wrdreg s6  }
0xab: {  	[dreg:$0x4] =	wrdreg $0xC0  }
0xac: {  	_ =	task [dreg:s8], $0x5FFFF  }
0xad: {  	[dreg:$0x1] =	wrdreg $0xFFFFFFFF  }
0xae: {  	[dreg:$0x0] =	wrdreg $0x60  }
0xaf: {  	[dreg:$0x2] =	wrdreg s24  }
0xb0: {  	[dreg:$0x3] =	wrdreg s2  }
0xb1: {  	[dreg:$0x4] =	wrdreg s18  }
0xb2: {  	[dreg:$0x5] =	wrdreg $0x9  }
0xb3: {  	_ =	task.clear_ibuf [dreg:s8], $0x6FFFF;
	_ =	strace $0x90000046  }
0xb4: {  	s29 =	simm.s32 $0x9;
	_ =	strace $0x80000048  }
0xb5: {  	_ =	swait.ge [sflag:s29], $0x1  }
0xb6: {  	[sflag:s29] =	ssyncadd.s32 $0xFFFFFFFF  }
0xb7: {  	_ =	strace $0x90000048  }
0xb8: {  	_ =	sfence  }
0xb9: {  	s30 =	sld [smem:$0x0];
	_ =	sdelay $0x2  }
0xba: {  	s31 =	sshll.u32 s1, $0xD;
	s1 =	sshrl.u32 s1, $0x2  }
0xbb: {  	s3 =	sand.u32 $0x4000, s31;
	s1 =	sadd.s32 s1, s30  }
0xbc: {  	s0 =	sor.u32 s3, s0;
	s1 =	sshll.u32 s1, $0x11  }
0xbd: {  	s0 =	sor.u32 s1, s0  }
0xbe: {  	s0 =	sadd.s32 $0x8F2B, s0  }
0xbf: {  	[sflag:s0] =	ssyncadd.remote.s32 $0x1  }
0xc0: {  	_ =	sfence.sel $0xFFFF  }
0xc1: {  	[dreg:$0x0] =	wrdreg $0xFFFFFFFF;
	(pc) =	sbr.abs _section_cstart, $3  }
0xc2: {  	[dreg:$0x1] =	wrdreg $0xFFFFFFFF  }
0xc3: {  	_ =	task.clear_ibuf [dreg:s8], $0x2FFFF;
	_ =	strace $0x9FFFFFFF  }
0xc4: {  	(tm) =	ssettm $0x7FFFFFFF  }
0xc5: {  	_ =	shalt  }
tec
execute0_lowered:
.L_overlay_start_1:
0x0: {  	(tag) =	ssettag $0x1  }
0x1: {  	s4 =	rddreg [dreg:$0x0]  }
0x2: {  	s6 =	rddreg [dreg:$0x1]  }
0x3: {  	s2 =	rddreg [dreg:$0x2]  }
0x4: {  	s0 =	rddreg [dreg:$0x3];
	s5 =	srdreg.scid  }
0x5: {  	s1 =	stileid.u32;
	s3 =	simm.s32 $0x0;
	s11 =	simm.s32 $0x10000  }
0x6: {  	s12 =	simm.s32 $0x18000;
	s5 =	sand.u32 $0x1, s5;
	s7 =	sshll.u32 s1, $0x1  }
0x7: {  	s13 =	simm.s32 $0x0;
	[smem:$0x7FF] =	sst s3;
	s7 =	sor.u32 s5, s7  }
0x8: {  	_ =	strace $0x80000047;
	s5 =	ssub.s32 $0x2, s5;
	s8 =	sshll.u32 s7, $0xC  }
0x9: {  	s7 =	sshll.u32 s7, $0x1;
	s10 =	sshrl.u32 s5, $0x1;
	s9 =	sadd.s32 s8, s4  }
0xa: {  	s7 =	sadd.s32 s7, s4;
	s10 =	ssub.s32 s5, s10;
	s6 =	sadd.s32 s6, s8  }
0xb: {  	s4 =	sadd.s32 $0x20400, s9;
	s5 =	sadd.s32 $0x400, s9;
	s7 =	sadd.s32 $0x40400, s7  }
0xc: {  	s8 =	smax.u32 s10, $0x1;
	s9 =	simm.s32 $0x1;
	s10 =	simm.s32 $0x8000  }
.LBB2_1:
0xd: {  	[tilespmem:s3], [sflag:$0x1] =	stream.linear.gather [hbm4b:s4+s3], $0x8000, $0x38;
	[tilespmem:$0x18080] =	vst v63  }
0xe: {  	_ =	swait.ge [sflag:s9], $0x8000  }
0xf: {  	[sflag:s9] =	ssyncset.done $0x0  }
0x10: {  	[sflag:s9] =	ssyncadd.s32 $0xFFFF8000  }
0x11: {  	[tilespmem:s10], [sflag:$0x1] =	stream.linear.gather [hbm4b:s5+s3], $0x8000, $0x38;
	[tilespmem:$0x18080] =	vst v63  }
0x12: {  	_ =	swait.ge [sflag:s9], $0x8000  }
0x13: {  	[sflag:s9] =	ssyncset.done $0x0  }
0x14: {  	[sflag:s9] =	ssyncadd.s32 $0xFFFF8000  }
0x15: {  	[tilespmem:s11], [sflag:$0x1] =	stream.linear.gather [hbm4b:s6+s3], $0x8000, $0x38;
	[tilespmem:$0x18080] =	vst v63  }
0x16: {  	_ =	swait.ge [sflag:s9], $0x8000  }
0x17: {  	[sflag:s9] =	ssyncset.done $0x0  }
0x18: {  	[sflag:s9] =	ssyncadd.s32 $0xFFFF8000  }
0x19: {  	[tilespmem:s12], [sflag:$0x1] =	stream.linear.gather [hbm4b:s2+s3], $0x80, $0x38;
	[tilespmem:$0x18080] =	vst v63  }
0x1a: {  	_ =	swait.ge [sflag:s9], $0x80  }
0x1b: {  	[sflag:s9] =	ssyncset.done $0x0  }
0x1c: {  	s14 =	simm.s32 $0x0;
	[sflag:s9] =	ssyncadd.s32 $0xFFFFFF80  }
0x1d: {  	v0 =	vld [tilespmem:s14+$0x0]  }
0x1e: {  	v1 =	vld [tilespmem:s14+$0x8000];
	_ =	sdelay $0x2  }
0x1f: {  	v2 =	vld [tilespmem:s14+$0x10000];
	_ =	sdelay $0x1  }
0x20: {  	v0 =	vsub.f32 v1, v0;
	_ =	sdelay $0x1  }
0x21: {  	v1 =	vsub.f32 $0.0e+00, v0  }
0x22: {  	s26 =	simm.s32 $0x10;
	vm0 =	veq.s32 v2, $0x1  }
0x23: {  	v2 =	vld [tilespmem:s26+$0x8000];
	v5 =	vsel vm0, v0, v1  }
0x24: {  	v0 =	vld [tilespmem:s26+$0x0];
	v1 =	vand.u32 $0x7FFFFFFF, v5  }
0x25: {  	v1 =	vsub.f32 $0.0e+00, v1;
	_ =	sdelay $0x1  }
0x26: {  	v3 =	vld [tilespmem:s26+$0x10000];
	v1 =	vmul.f32 $1.442695020e+00, v1;
	_ =	sdelay $0x1  }
0x27: {  	v0 =	vsub.f32 v2, v0;
	(erf) = vpow2.f32 v1;
	_ =	sdelay $0x1  }
0x28: {  	v1 =	vsub.f32 $0.0e+00, v0  }
0x29: {  	vm0 =	veq.s32 v3, $0x1  }
0x2a: {  	s28 =	simm.s32 $0x20;
	v3 =	vsel vm0, v0, v1  }
0x2b: {  	v2 =	vld [tilespmem:s28+$0x8000];
	v1 =	vand.u32 $0x7FFFFFFF, v3  }
0x2c: {  	v0 =	vld [tilespmem:s28+$0x0];
	v1 =	vsub.f32 $0.0e+00, v1;
	_ =	sdelay $0x1  }
0x2d: {  	v4 =	vld [tilespmem:s28+$0x10000];
	v1 =	vmul.f32 $1.442695020e+00, v1  }
0x2e: {  	v11 =	vpop (erf)  }
0x2f: {  	(erf) = vpow2.f32 v1;
	v6 =	vadd.f32 $2.000000000e+00, v11  }
0x30: {  	v0 =	vsub.f32 v2, v0  }
0x31: {  	s29 =	simm.s32 $0x30;
	(erf) = vrcp.f32 v6  }
0x32: {  	vm0 =	veq.s32 v4, $0x1;
	v4 =	vld [tilespmem:s29+$0x8000];
	v1 =	vsub.f32 $0.0e+00, v0  }
0x33: {  	v6 =	vld [tilespmem:s29+$0x0]  }
0x34: {  	v2 =	vsel vm0, v0, v1  }
0x35: {  	v0 =	vand.u32 $0x7FFFFFFF, v2  }
0x36: {  	v0 =	vsub.f32 $0.0e+00, v0  }
0x37: {  	v1 =	vld [tilespmem:s29+$0x10000]  }
0x38: {  	v0 =	vmul.f32 $1.442695020e+00, v0;
	v4 =	vsub.f32 v4, v6;
	v6 =	vpop (erf)  }
0x39: {  	v7 =	vadd.f32 $2.000000000e+00, v6  }
0x3a: {  	(erf) = vpow2.f32 v0;
	v8 =	vpop (erf)  }
0x3b: {  	s30 =	simm.s32 $0x40;
	v9 =	vsub.f32 $0.0e+00, v4;
	(erf) = vrcp.f32 v7;
	v8 =	vmul.f32 v8, v11  }
0x3c: {  	vm0 =	veq.s32 v1, $0x1;
	v0 =	vld [tilespmem:s30+$0x0]  }
0x3d: {  	v1 =	vsel vm0, v4, v9;
	v4 =	vld [tilespmem:s30+$0x8000];
	v7 =	vmul.f32 v8, v8  }
0x3e: {  	v9 =	vand.u32 $0x7FFFFFFF, v1  }
0x3f: {  	v12 =	vld [tilespmem:s30+$0x10000];
	v9 =	vsub.f32 $0.0e+00, v9;
	v10 =	vmul.f32 $2.222222240e-01, v7;
	_ =	sdelay $0x1  }
0x40: {  	v9 =	vmul.f32 $1.442695020e+00, v9;
	v10 =	vadd.f32 $2.857142980e-01, v10  }
0x41: {  	s31 =	simm.s32 $0x50;
	v16 =	vadd.f32 $1.000000000e+00, v11;
	v0 =	vsub.f32 v4, v0  }
0x42: {  	v14 =	vld [tilespmem:s31+$0x8000];
	(erf) = vpow2.f32 v9;
	v4 =	vpop (erf);
	v9 =	vmul.f32 v10, v7  }
0x43: {  	v17 =	vld [tilespmem:s31+$0x10000];
	vm0 =	veq.s32 v12, $0x1;
	v13 =	vsub.f32 $0.0e+00, v0;
	(erf) = vrcp.f32 v16;
	v15 =	vpop (erf)  }
0x44: {  	v10 =	vld [tilespmem:s31+$0x0];
	v12 =	vmul.f32 v15, v6;
	v15 =	vadd.f32 $2.000000000e+00, v4;
	v9 =	vadd.f32 $4.000000060e-01, v9;
	_ =	sdelay $0x1  }
0x45: {  	v0 =	vsel vm0, v0, v13;
	(erf) = vrcp.f32 v15;
	v18 =	vmul.f32 v9, v7  }
0x46: {  	v16 =	vand.u32 $0x7FFFFFFF, v0;
	v13 =	vmul.f32 v12, v12  }
0x47: {  	v16 =	vsub.f32 $0.0e+00, v16;
	v19 =	vadd.f32 $6.666666860e-01, v18  }
0x48: {  	vm0 =	veq.s32 v17, $0x1;
	v10 =	vsub.f32 v14, v10;
	v14 =	vmul.f32 $2.222222240e-01, v13  }
0x49: {  	v9 =	vimm.f32 $0.0e+00;
	v18 =	vmul.f32 $1.442695020e+00, v16;
	v16 =	vmul.f32 v19, v7  }
0x4a: {  	s14 =	simm.s32 $0x180;
	v15 =	vsub.f32 $0.0e+00, v10;
	v17 =	vadd.f32 $2.857142980e-01, v14;
	v14 =	vxor.u32 $0x80000000, v5;
	v7 =	vpop (erf)  }
.LBB2_2:
0x4b: {  	p0 =	sne.s32 s14, $0x1FFC0;
	(erf) = vpow2.f32 v18;
	vm1 =	vge.f32 v5, $0.0e+00;
	v16 =	vadd.f32 $2.000000000e+00, v16;
	v5 =	vmovc v3;
	v3 =	vmovc v2  }
0x4c: {  	s15 =	sshra.s32 s14, $0x2;
	v18 =	vadd.f32 $1.000000000e+00, v6;
	v17 =	vmul.f32 v17, v13;
	v20 =	vnsel vm1, $0x3F800000, v11;
	v11 =	vpop (erf)  }
0x4d: {  	v14 =	vmax.f32 v14, $0.0e+00;
	v2 =	vmovc v1;
	v19 =	vld [tilespmem:s15+$0x0];
	v22 =	vmul.f32 v11, v20;
	v16 =	vmul.f32 v16, v8;
	v8 =	vmovc v12  }
0x4e: {  	v21 =	vadd.f32 $2.000000000e+00, v7;
	v20 =	vld [tilespmem:s15+$0x8000];
	v1 =	vpop (erf);
	v17 =	vadd.f32 $4.000000060e-01, v17;
	(erf) = vrcp.f32 v18  }
0x4f: {  	v18 =	vld [tilespmem:s15+$0x10000];
	v12 =	vmul.f32 v1, v4;
	v14 =	vadd.f32 v16, v14;
	v16 =	vmul.f32 v22, v22;
	v1 =	vmovc v0  }
0x50: {  	v11 =	vmovc v6;
	v6 =	vmovc v4;
	v0 =	vsel vm0, v10, v15;
	(erf) = vrcp.f32 v21;
	v10 =	vmul.f32 v17, v13  }
.Ltmp0:
0x51: {  	v4 =	vmovc v7;
	v15 =	vand.u32 $0x7FFFFFFF, v0;
	v21 =	vmul.f32 v12, v12;
	v14 =	vmul.f32 v14, v16;
	(pc) =	sbr.rel @p0 .LBB2_2-.Ltmp0, $4  }
0x52: {  	v16 =	vsub.f32 $0.0e+00, v15;
	v15 =	vadd.f32 $6.666666860e-01, v10  }
0x53: {  	v10 =	vsub.f32 v20, v19;
	v17 =	vmul.f32 $2.222222240e-01, v21;
	v9 =	vadd.f32 v14, v9  }
0x54: {  	vm0 =	veq.s32 v18, $0x1;
	v18 =	vmul.f32 $1.442695020e+00, v16;
	v7 =	vpop (erf);
	v16 =	vmul.f32 v15, v13  }
0x55: {  	s14 =	sadd.s32 $0x40, s14;
	v14 =	vxor.u32 $0x80000000, v5;
	v13 =	vmovc v21;
	v15 =	vsub.f32 $0.0e+00, v10;
	v17 =	vadd.f32 $2.857142980e-01, v17  }
0x56: {  	_ = 	snop  }
0x57: {  	v10 =	vsel vm0, v10, v15  }
0x58: {  	(erf) = vpow2.f32 v18;
	v15 =	vand.u32 $0x7FFFFFFF, v10  }
0x59: {  	v19 =	vadd.f32 $1.000000000e+00, v6;
	v15 =	vsub.f32 $0.0e+00, v15  }
0x5a: {  	v48 =	vadd.f32 $2.000000000e+00, v7  }
0x5b: {  	(erf) = vrcp.f32 v19;
	v15 =	vmul.f32 $1.442695020e+00, v15  }
0x5c: {  	(erf) = vrcp.f32 v48  }
0x5d: {  	(erf) = vpow2.f32 v15;
	_ =	sdelay $0x1  }
0x5e: {  	v50 =	vpop (erf)  }
0x5f: {  	v51 =	vpop (erf)  }
0x60: {  	v52 =	vadd.f32 $2.000000000e+00, v16;
	v16 =	vpop (erf)  }
0x61: {  	v21 =	vadd.f32 $2.000000000e+00, v16  }
0x62: {  	v53 =	vadd.f32 $1.000000000e+00, v4  }
0x63: {  	vm10 =	vge.f32 v5, $0.0e+00;
	v22 =	vadd.f32 $1.000000000e+00, v7;
	v14 =	vmax.f32 v14, $0.0e+00;
	v20 =	vpop (erf)  }
0x64: {  	vm11 =	vge.f32 v3, $0.0e+00;
	v49 =	vmul.f32 v17, v13;
	(erf) = vrcp.f32 v53;
	v54 =	vpop (erf)  }
0x65: {  	v62 =	vxor.u32 $0x80000000, v3;
	v18 =	vmul.f32 v51, v4;
	(erf) = vrcp.f32 v21;
	v21 =	vpop (erf)  }
0x66: {  	vm12 =	vge.f32 v2, $0.0e+00;
	v15 =	vadd.f32 $4.000000060e-01, v49;
	v57 =	vadd.f32 $2.000000000e+00, v21  }
0x67: {  	v39 =	vxor.u32 $0x80000000, v2;
	v55 =	vmul.f32 v18, v18;
	(erf) = vrcp.f32 v22  }
0x68: {  	vm13 =	vge.f32 v1, $0.0e+00;
	v15 =	vmul.f32 v15, v13;
	(erf) = vrcp.f32 v57  }
0x69: {  	vm14 =	vge.f32 v0, $0.0e+00;
	v11 =	vnsel vm10, $0x3F800000, v11;
	v58 =	vmul.f32 $2.222222240e-01, v55  }
0x6a: {  	v60 =	vnsel vm11, $0x3F800000, v6;
	v11 =	vmul.f32 v50, v11;
	v15 =	vadd.f32 $6.666666860e-01, v15  }
0x6b: {  	v24 =	vld [tilespmem:$0x18000];
	v3 =	vmax.f32 v62, $0.0e+00;
	v5 =	vmul.f32 v52, v8;
	v59 =	vadd.f32 $2.857142980e-01, v58  }
0x6c: {  	v37 =	vnsel vm12, $0x3F800000, v4;
	v11 =	vmul.f32 v11, v11;
	v56 =	vmul.f32 v15, v13  }
0x6d: {  	v5 =	vadd.f32 v5, v14;
	v17 =	vmul.f32 v54, v7;
	v13 =	vmul.f32 v59, v55  }
0x6e: {  	v2 =	vmax.f32 v39, $0.0e+00;
	v46 =	vnsel vm13, $0x3F800000, v7;
	v8 =	vadd.f32 $2.000000000e+00, v56;
	v25 =	vpop (erf)  }
0x6f: {  	v5 =	vmul.f32 v5, v11;
	v61 =	vmul.f32 v17, v17;
	v26 =	vadd.f32 $4.000000060e-01, v13;
	v28 =	vpop (erf)  }
0x70: {  	vm15 =	vge.f32 v10, $0.0e+00;
	(xrf2) =	vadd.scan.msk.f32 $0xffff, v24;
	v8 =	vmul.f32 v8, v12;
	v12 =	vmul.f32 v28, v16;
	v30 =	vpop (erf)  }
0x71: {  	v48 =	vxor.u32 $0x80000000, v1;
	v63 =	vmul.f32 $2.222222240e-01, v61;
	v11 =	vmul.f32 v26, v55;
	v33 =	vpop (erf)  }
0x72: {  	v5 =	vadd.f32 v5, v9;
	v32 =	vmul.f32 v12, v12;
	v35 =	vmul.f32 v33, v21  }
0x73: {  	v41 =	vadd.f32 $1.000000000e+00, v16;
	v6 =	vmul.f32 v20, v60;
	v27 =	vadd.f32 $2.857142980e-01, v63  }
0x74: {  	v31 =	vadd.f32 $6.666666860e-01, v11;
	v36 =	vmul.f32 $2.222222240e-01, v32;
	v38 =	vmul.f32 v35, v35  }
0x75: {  	v6 =	vmul.f32 v6, v6;
	v3 =	vadd.f32 v8, v3;
	v29 =	vmul.f32 v27, v61  }
0x76: {  	v9 =	vmul.f32 v31, v55;
	v13 =	vadd.f32 $2.857142980e-01, v36;
	v40 =	vmul.f32 $2.222222240e-01, v38  }
0x77: {  	v43 =	vadd.f32 $1.000000000e+00, v21;
	v3 =	vmul.f32 v3, v6;
	v34 =	vadd.f32 $4.000000060e-01, v29  }
0x78: {  	v9 =	vadd.f32 $2.000000000e+00, v9;
	v13 =	vmul.f32 v13, v32;
	v42 =	vadd.f32 $2.857142980e-01, v40  }
0x79: {  	(erf) = vrcp.f32 v41;
	v3 =	vadd.f32 v3, v5;
	v5 =	vmul.f32 v34, v61  }
0x7a: {  	v45, _, _ =	vpop (xrf2);
	v9 =	vmul.f32 v9, v18;
	v13 =	vadd.f32 $4.000000060e-01, v13;
	v44 =	vmul.f32 v42, v38  }
0x7b: {  	(v2sf) =	vpush v45, $0xF;
	(erf) = vrcp.f32 v43;
	v5 =	vadd.f32 $6.666666860e-01, v5  }
0x7c: {  	v2 =	vadd.f32 v9, v2;
	v13 =	vmul.f32 v13, v32;
	v9 =	vadd.f32 $4.000000060e-01, v44  }
0x7d: {  	v1 =	vmax.f32 v48, $0.0e+00;
	v53 =	vnsel vm14, $0x3F800000, v16;
	v4 =	vmul.f32 v25, v37  }
0x7e: {  	v5 =	vmul.f32 v5, v61;
	v47 =	vadd.f32 $6.666666860e-01, v13;
	v9 =	vmul.f32 v9, v38  }
0x7f: {  	v60 =	vxor.u32 $0x80000000, v10;
	v4 =	vmul.f32 v4, v4;
	v7 =	vmul.f32 v30, v46  }
0x80: {  	v5 =	vadd.f32 $2.000000000e+00, v5;
	v49 =	vmul.f32 v47, v32;
	v51 =	vadd.f32 $6.666666860e-01, v9  }
0x81: {  	v58 =	vnsel vm15, $0x3F800000, v21;
	v50 =	vmul.f32 v7, v7;
	v2 =	vmul.f32 v2, v4  }
0x82: {  	v54 =	vpop (erf);
	v5 =	vmul.f32 v5, v17;
	v52 =	vadd.f32 $2.000000000e+00, v49;
	v7 =	vmul.f32 v51, v38  }
0x83: {  	v55 =	vxor.u32 $0x80000000, v0;
	v4 =	vmul.f32 v54, v53;
	v2 =	vadd.f32 v2, v3  }
0x84: {  	v59 =	vpop (erf);
	v1 =	vadd.f32 v5, v1;
	v3 =	vmul.f32 v52, v12;
	v56 =	vadd.f32 $2.000000000e+00, v7  }
0x85: {  	v0 =	vmax.f32 v55, $0.0e+00;
	v57 =	vmul.f32 v4, v4;
	v4 =	vmul.f32 v59, v58  }
0x86: {  	v1 =	vmul.f32 v1, v50;
	v0 =	vadd.f32 v3, v0;
	v5 =	vmul.f32 v56, v35  }
0x87: {  	v61 =	vmax.f32 v60, $0.0e+00;
	v62 =	vmul.f32 v4, v4  }
0x88: {  	v1 =	vadd.f32 v1, v2;
	v0 =	vmul.f32 v0, v57;
	v2 =	vadd.f32 v5, v61;
	_ =	sdelay $0x1  }
0x89: {  	v0 =	vadd.f32 v0, v1;
	v63 =	vmul.f32 v2, v62  }
0x8a: {  	s14 =	spop (v2sf)  }
0x8b: {  	s14 =	smul.f32 $4.768371580e-07, s14;
	v0 =	vadd.f32 v63, v0;
	_ =	sdelay $0x1  }
0x8c: {  	s13 =	sadd.s32 $0x1, s13;
	v0 =	vmul.f32 s14, v0  }
0x8d: {  	p0 =	sne.s32 s13, s8  }
.Ltmp1:
0x8e: {  	[tilespmem:$0x18000] =	vst v0;
	(pc) =	sbr.rel @p0 .LBB2_1-.Ltmp1, $4  }
0x8f: {  	[hbm4b:s7+s3] =	stream.linear.scatter [tilespmem:s12], [sflag:$0x1], $0x10, $0x38;
	[tilespmem:$0x18080] =	vst v63  }
0x90: {  	_ =	swait.ge [sflag:s9], $0x10  }
0x91: {  	[sflag:s9] =	ssyncset.done $0x0  }
0x92: {  	[sflag:s9] =	ssyncadd.s32 $0xFFFFFFF0  }
0x93: {  	_ =	sfence.sel $0x180000  }
0x94: {  	[bflag:$0x0] =	sbarrier.arrive $0xFFFF  }
0x95: {  	p0 =	sne.s32 s1, $0x0;
	_ =	strace $0x90000047  }
0x96: {  	s0 =	sadd.s32 @!p0 $0x100000, s0;
	[bflag:$0x2] =	sbarrier.arrive $0xFFFF  }
0x97: {  	[sflag:s0] =	ssyncadd.tile.s32 @!p0 $0x1;
	_ =	shalt  }
.Lfunc_end2:
_tile_overlayer_lowered:
.L_overlay_start_2:
0x98: {  	(tag) =	ssettag $0x2  }
0x99: {  	s0 =	rddreg [dreg:$0x0];
	s2 =	stileid.u32  }
0x9a: {  	s1 =	rddreg [dreg:$0x1];
	p0 =	sne.s32 s2, $0x0  }
0x9b: {  	s3 =	rddreg [dreg:$0x2];
	[bflag:$0x3] =	sbarrier.arrive $0xFFFF;
	s2 =	simm.s32 @!p0 $0x1C01  }
0x9c: {  	[timem:s3], [sflag:s2] =	dma.local @!p0 [hbm:s0], s1  }
0x9d: {  	s0 =	simm.s32 @!p0 $0x1  }
0x9e: {  	_ =	swait.ge @!p0 [sflag:s0], s1  }
0x9f: {  	s1 =	ssub.s32 @!p0 $0x0, s1;
	[sflag:s0] =	ssyncset.done @!p0 $0x0  }
0xa0: {  	[sflag:s0] =	ssyncadd.s32 @!p0 s1  }
0xa1: {  	[bflag:$0x3] =	sbarrier.arrive $0xFFFF  }
0xa2: {  	_ =	shalt  }

</sc_bundles>
